<compile_context>
chip_gen: v7x
topology: tpu7x:2x2x1
jax: 0.10.2.dev20260603
libtpu: 0.0.44.dev20260713+nightly
codegen_flags: <defaults>
</compile_context>

<pallas_src>
import functools

import jax
import jax.numpy as jnp
from jax import lax
from jax.experimental import pallas as pl
from jax.experimental.pallas import tpu as pltpu
from jax.experimental.pallas import tpu_sc as plsc

_SEQ = 2048
_NOUT = 1000
_NIN = 1000
_NCORES = 1
_NSUB = 16
_NW = _NCORES * _NSUB
_CHUNK = _SEQ // _NW
_LANES = 16
_BT = 1024


def _sc_gather_scan_body(seq_hbm, delta_hbm, g_hbm, tots_hbm,
                         seq_v, delta_v, g_v, pub_v, sem1, sem2):
    wid = lax.axis_index("s") * _NCORES + lax.axis_index("c")
    base = wid * _CHUNK
    h1 = pltpu.async_copy(seq_hbm.at[pl.ds(base, _CHUNK)], seq_v, sem1)
    h2 = pltpu.async_copy(delta_hbm, delta_v, sem2)
    h1.wait()
    h2.wait()

    def gather_scan(j, carry):
        idx = seq_v[pl.ds(j * _LANES, _LANES)]
        vals = plsc.load_gather(delta_v, [idx])
        g_v[pl.ds(j * _LANES, _LANES)] = plsc.cumsum(vals) + carry
        return carry + jnp.sum(vals)

    tot = lax.fori_loop(0, _CHUNK // _LANES, gather_scan, jnp.float32(0.0))

    pub_v[...] = jnp.broadcast_to(tot, (_LANES,))
    pltpu.sync_copy(g_v, g_hbm.at[pl.ds(base, _CHUNK)])
    pltpu.sync_copy(pub_v, tots_hbm.at[wid])


def _sc_gather_scan(input_seq, delta):
    mesh = plsc.VectorSubcoreMesh(
        core_axis_name="c", subcore_axis_name="s", num_cores=_NCORES)
    run = functools.partial(
        pl.kernel,
        mesh=mesh,
        compiler_params=pltpu.CompilerParams(needs_layout_passes=False),
        out_type=[jax.ShapeDtypeStruct((_SEQ,), jnp.float32),
                  jax.ShapeDtypeStruct((_NW, _LANES), jnp.float32)],
        scratch_types=[
            pltpu.VMEM((_CHUNK,), jnp.int32),
            pltpu.VMEM((_NIN,), jnp.float32),
            pltpu.VMEM((_CHUNK,), jnp.float32),
            pltpu.VMEM((_LANES,), jnp.float32),
            pltpu.SemaphoreType.DMA,
            pltpu.SemaphoreType.DMA,
        ],
    )(_sc_gather_scan_body)
    return run(input_seq, delta)


def _softmax_t_body(g_ref, tot_ref, w_ref, b_ref, o_ref):
    i = pl.program_id(0)
    tcol = tot_ref[...][:, 0:1]
    t_glob = lax.broadcasted_iota(jnp.int32, (_NW, _BT), 1) + i * _BT
    k = lax.broadcasted_iota(jnp.int32, (_NW, _BT), 0)
    mask = (t_glob >= (k + 1) * _CHUNK).astype(jnp.float32)
    offs = jnp.sum(tcol * mask, axis=0, keepdims=True)
    c = g_ref[...] + offs
    w = w_ref[...]
    b_col = b_ref[...]
    wmax = jnp.max(w)
    wmin = jnp.min(w)
    bmax = jnp.max(b_col)
    m = jnp.maximum(c * wmax, c * wmin) + bmax
    e = jnp.exp(w * c + (b_col - m))
    s = jnp.sum(e, axis=0, keepdims=True)
    o_ref[...] = e * (1.0 / s)


def _tc_softmax_t(g_row, tots, w_col, b_col):
    return pl.pallas_call(
        _softmax_t_body,
        grid=(_SEQ // _BT,),
        in_specs=[
            pl.BlockSpec((1, _BT), lambda i: (0, i)),
            pl.BlockSpec((_NW, _LANES), lambda i: (0, 0)),
            pl.BlockSpec((_NOUT, 1), lambda i: (0, 0)),
            pl.BlockSpec((_NOUT, 1), lambda i: (0, 0)),
        ],
        out_specs=pl.BlockSpec((_NOUT, _BT), lambda i: (0, i)),
        out_shape=jax.ShapeDtypeStruct((_NOUT, _SEQ), jnp.float32),
    )(g_row, tots, w_col, b_col)


def kernel(input_seq, delta, W, b):
    g, tots = _sc_gather_scan(input_seq, delta)
    out_t = _tc_softmax_t(g[None, :], tots, W, b[:, None])
    return out_t.T

# --- scband reference (transcript-rebuilt; emitter-appended) ---
"""Pipeline reference for scband-single-counter-13022340842112 (READ-ONLY COPY).

The authoritative reference and input builder live on the scoring server;
editing this copy changes nothing except your own understanding.
"""

import jax, jax.numpy as jnp
import numpy as np

NUM_INPUTS = 1000
NUM_OUTPUTS = 1000
SEQ_LEN = 2048


def setup_inputs(seed: int = 0) -> dict:
    key = jax.random.key(seed)
    k1, k2, k3, k4 = jax.random.split(key, 4)
    input_seq = jax.random.randint(k1, (SEQ_LEN,), 0, NUM_INPUTS, dtype=jnp.int32)
    # learned params: _delta (init zeros in torch; use small noise so output is nontrivial)
    delta = jax.random.normal(k2, (NUM_INPUTS,), dtype=jnp.float32) * 0.02
    # nn.Linear(1, num_outputs): weight [num_outputs, 1], bias [num_outputs]
    W = jax.random.normal(k3, (NUM_OUTPUTS, 1), dtype=jnp.float32)
    b = jax.random.normal(k4, (NUM_OUTPUTS,), dtype=jnp.float32) * 0.01
    return {"input_seq": input_seq, "delta": delta, "W": W, "b": b}


def reference(input_seq, delta, W, b):
    # counter_t = sum_{i<=t} delta[input_seq[i]]  (the python loop is a prefix sum)
    gathered = jnp.take(delta, input_seq, axis=0)          # [L] embedding gather
    counters = jnp.cumsum(gathered)                        # [L] running counter
    # Linear(1, num_outputs) applied to scalar counter: logits = counter * W[:,0] + b
    logits = counters[:, None] * W[:, 0][None, :] + b[None, :]  # [L, num_outputs]
    return jax.nn.softmax(logits, axis=-1)                 # [L, num_outputs]

if __name__ == "__main__":
    import jax
    _d = setup_inputs()
    print(jax.jit(kernel)(*tuple(_d.values())))

</pallas_src>

<mosaic_0001>
#map = affine_map<(d0, d1) -> (0)>
#map1 = affine_map<(d0, d1) -> (0, 0)>
module attributes {stable_mosaic.version = 14 : i64} {
  func.func @_sc_gather_scan_body(%arg0: i32, %arg1: i32, %arg2: memref<2048xi32, #tpu.memory_space<hbm>>, %arg3: memref<1000xf32, #tpu.memory_space<hbm>>, %arg4: memref<2048xf32, #tpu.memory_space<hbm>>, %arg5: memref<16x16xf32, #tpu.memory_space<hbm>>, %arg6: memref<128xi32, #tpu.memory_space<vmem>>, %arg7: memref<1000xf32, #tpu.memory_space<vmem>>, %arg8: memref<128xf32, #tpu.memory_space<vmem>>, %arg9: memref<16xf32, #tpu.memory_space<vmem>>, %arg10: memref<!tpu.dma_semaphore, #tpu.memory_space<semaphore_mem>>, %arg11: memref<!tpu.dma_semaphore, #tpu.memory_space<semaphore_mem>>) attributes {dimension_semantics = [#tpu.dimension_semantics<core_parallel>, #tpu.dimension_semantics<subcore_parallel>], iteration_bounds = array<i64: 1, 16>, scalar_prefetch = 0 : i64, scratch_operands = 6 : i64, tpu.core_type = #tpu.core_type<sc_vector_subcore>, window_params = [{transform_indices = #map}, {transform_indices = #map}, {transform_indices = #map}, {transform_indices = #map1}]} {
    %mul3A = arith.constant 1 : i32
    %mul3A_0 = arith.muli %arg1, %mul3A : i32
    %add3A = arith.addi %mul3A_0, %arg0 : i32
    %mul3A_1 = arith.constant 128 : i32
    %mul3A_2 = arith.muli %add3A, %mul3A_1 : i32
    %dma_start3A = tpu.memref_slice %arg2[%mul3A_2] : memref<2048xi32, #tpu.memory_space<hbm>> -> memref<128xi32, #tpu.memory_space<hbm>>
    %dma_start3A_3 = tpu.memref_slice %arg2[%mul3A_2] : memref<2048xi32, #tpu.memory_space<hbm>> -> memref<128xi32, #tpu.memory_space<hbm>>
    tpu.enqueue_dma source(%dma_start3A_3 : memref<128xi32, #tpu.memory_space<hbm>>) target(%arg6 : memref<128xi32, #tpu.memory_space<vmem>>) target_semaphore(%arg10 : memref<!tpu.dma_semaphore, #tpu.memory_space<semaphore_mem>>)
    tpu.enqueue_dma source(%arg3 : memref<1000xf32, #tpu.memory_space<hbm>>) target(%arg7 : memref<1000xf32, #tpu.memory_space<vmem>>) target_semaphore(%arg11 : memref<!tpu.dma_semaphore, #tpu.memory_space<semaphore_mem>>)
    %dma_wait3A = tpu.memref_slice %arg2[%mul3A_2] : memref<2048xi32, #tpu.memory_space<hbm>> -> memref<128xi32, #tpu.memory_space<hbm>>
    %dma_wait3A_4 = tpu.memref_slice %arg2[%mul3A_2] : memref<2048xi32, #tpu.memory_space<hbm>> -> memref<128xi32, #tpu.memory_space<hbm>>
    tpu.wait_dma2 semaphore(%arg10 : memref<!tpu.dma_semaphore, #tpu.memory_space<semaphore_mem>>) src(%dma_wait3A_4 : memref<128xi32, #tpu.memory_space<hbm>>) dst(%arg6 : memref<128xi32, #tpu.memory_space<vmem>>)
    tpu.wait_dma2 semaphore(%arg11 : memref<!tpu.dma_semaphore, #tpu.memory_space<semaphore_mem>>) src(%arg3 : memref<1000xf32, #tpu.memory_space<hbm>>) dst(%arg7 : memref<1000xf32, #tpu.memory_space<vmem>>)
    %scan3A = arith.constant 0.000000e+00 : f32
    %scan3A_5 = arith.constant 0 : i32
    %scan3A_6 = arith.constant 8 : i32
    %scan3A_7 = arith.addi %scan3A_5, %scan3A_6 : i32
    %scan3A_8 = arith.constant 1 : i32
    %scan3A_9 = scf.for %scan3A_12 = %scan3A_5 to %scan3A_7 step %scan3A_8 iter_args(%scan3A_13 = %scan3A) -> (f32)  : i32 {
      %mul3A_14 = arith.constant 16 : i32
      %mul3A_15 = arith.muli %scan3A_12, %mul3A_14 : i32
      %get3A = arith.index_cast %mul3A_15 : i32 to index
      %get3A_16 = tpu.vector_load %arg6[%get3A] {strides = array<i32>} : memref<128xi32, #tpu.memory_space<vmem>>, vector<16xi32>,
      %gather3A = tpu.vector_load_idx %arg7[%get3A_16] : memref<1000xf32, #tpu.memory_space<vmem>>[vector<16xi32>], vector<16xf32>,
      %broadcast_in_dim3A_17 = arith.constant true
      %broadcast_in_dim3A_18 = vector.broadcast %broadcast_in_dim3A_17 : i1 to vector<16xi1>
      %masked_cumsum3A = tpu.scan <sum>, %gather3A masked %broadcast_in_dim3A_18 : vector<16xf32>, vector<16xi1> -> vector<16xf32>
      %add3A_19 = vector.broadcast %scan3A_13 : f32 to vector<16xf32>
      %add3A_20 = arith.addf %masked_cumsum3A, %add3A_19 : vector<16xf32>
      %mul3A_21 = arith.constant 16 : i32
      %mul3A_22 = arith.muli %scan3A_12, %mul3A_21 : i32
      %swap3A_23 = arith.index_cast %mul3A_22 : i32 to index
      %swap3A_24 = tpu.vector_load %arg8[%swap3A_23] {strides = array<i32>} : memref<128xf32, #tpu.memory_space<vmem>>, vector<16xf32>,
      tpu.vector_store %arg8[%swap3A_23], %add3A_20 {strides = array<i32>} : memref<128xf32, #tpu.memory_space<vmem>>, vector<16xf32>,
      %reduce_sum3A = arith.constant true
      %reduce_sum3A_25 = vector.broadcast %reduce_sum3A : i1 to vector<16xi1>
      %reduce_sum3A_26 = tpu.scan <sum>, %gather3A masked %reduce_sum3A_25 : vector<16xf32>, vector<16xi1> -> vector<16xf32>
      %reduce_sum3A_27 = vector.extract %reduce_sum3A_26[15] : f32 from vector<16xf32>
      %add3A_28 = arith.addf %scan3A_13, %reduce_sum3A_27 : f32
      scf.yield %add3A_28 : f32
    }
    %scan3A_10 = arith.constant 8 : i32
    %broadcast_in_dim3A = vector.broadcast %scan3A_9 : f32 to vector<16xf32>
    %swap3A = arith.constant 0 : index
    %swap3A_11 = tpu.vector_load %arg9[%swap3A] {strides = array<i32>} : memref<16xf32, #tpu.memory_space<vmem>>, vector<16xf32>,
    tpu.vector_store %arg9[%swap3A], %broadcast_in_dim3A {strides = array<i32>} : memref<16xf32, #tpu.memory_space<vmem>>, vector<16xf32>,
    "tpu.region"() ({
      %run_scoped3A = tpu.sem_alloc : memref<!tpu.dma_semaphore, #tpu.memory_space<semaphore_mem>>
      %dma_start3A_12 = tpu.memref_slice %arg4[%mul3A_2] : memref<2048xf32, #tpu.memory_space<hbm>> -> memref<128xf32, #tpu.memory_space<hbm>>
      %dma_start3A_13 = tpu.memref_slice %arg4[%mul3A_2] : memref<2048xf32, #tpu.memory_space<hbm>> -> memref<128xf32, #tpu.memory_space<hbm>>
      tpu.enqueue_dma source(%arg8 : memref<128xf32, #tpu.memory_space<vmem>>) target(%dma_start3A_13 : memref<128xf32, #tpu.memory_space<hbm>>) target_semaphore(%run_scoped3A : memref<!tpu.dma_semaphore, #tpu.memory_space<semaphore_mem>>)
      %dma_wait3A_14 = tpu.memref_slice %arg4[%mul3A_2] : memref<2048xf32, #tpu.memory_space<hbm>> -> memref<128xf32, #tpu.memory_space<hbm>>
      %dma_wait3A_15 = tpu.memref_slice %arg4[%mul3A_2] : memref<2048xf32, #tpu.memory_space<hbm>> -> memref<128xf32, #tpu.memory_space<hbm>>
      tpu.wait_dma2 semaphore(%run_scoped3A : memref<!tpu.dma_semaphore, #tpu.memory_space<semaphore_mem>>) src(%arg8 : memref<128xf32, #tpu.memory_space<vmem>>) dst(%dma_wait3A_15 : memref<128xf32, #tpu.memory_space<hbm>>)
      tpu.yield
    }) : () -> ()
    "tpu.region"() ({
      %run_scoped3A = tpu.sem_alloc : memref<!tpu.dma_semaphore, #tpu.memory_space<semaphore_mem>>
      %dma_start3A_12 = arith.constant 0 : i32
      %dma_start3A_13 = tpu.memref_slice %arg5[%add3A, %dma_start3A_12] : memref<16x16xf32, #tpu.memory_space<hbm>> -> memref<1x16xf32, #tpu.memory_space<hbm>>
      %dma_start3A_14 = tpu.memref_squeeze %dma_start3A_13 : memref<1x16xf32, #tpu.memory_space<hbm>> -> memref<16xf32, #tpu.memory_space<hbm>>
      %dma_start3A_15 = arith.constant 0 : i32
      %dma_start3A_16 = tpu.memref_slice %arg5[%add3A, %dma_start3A_15] : memref<16x16xf32, #tpu.memory_space<hbm>> -> memref<1x16xf32, #tpu.memory_space<hbm>>
      %dma_start3A_17 = tpu.memref_squeeze %dma_start3A_16 : memref<1x16xf32, #tpu.memory_space<hbm>> -> memref<16xf32, #tpu.memory_space<hbm>>
      tpu.enqueue_dma source(%arg9 : memref<16xf32, #tpu.memory_space<vmem>>) target(%dma_start3A_17 : memref<16xf32, #tpu.memory_space<hbm>>) target_semaphore(%run_scoped3A : memref<!tpu.dma_semaphore, #tpu.memory_space<semaphore_mem>>)
      %dma_wait3A_18 = arith.constant 0 : i32
      %dma_wait3A_19 = tpu.memref_slice %arg5[%add3A, %dma_wait3A_18] : memref<16x16xf32, #tpu.memory_space<hbm>> -> memref<1x16xf32, #tpu.memory_space<hbm>>
      %dma_wait3A_20 = tpu.memref_squeeze %dma_wait3A_19 : memref<1x16xf32, #tpu.memory_space<hbm>> -> memref<16xf32, #tpu.memory_space<hbm>>
      %dma_wait3A_21 = arith.constant 0 : i32
      %dma_wait3A_22 = tpu.memref_slice %arg5[%add3A, %dma_wait3A_21] : memref<16x16xf32, #tpu.memory_space<hbm>> -> memref<1x16xf32, #tpu.memory_space<hbm>>
      %dma_wait3A_23 = tpu.memref_squeeze %dma_wait3A_22 : memref<1x16xf32, #tpu.memory_space<hbm>> -> memref<16xf32, #tpu.memory_space<hbm>>
      tpu.wait_dma2 semaphore(%run_scoped3A : memref<!tpu.dma_semaphore, #tpu.memory_space<semaphore_mem>>) src(%arg9 : memref<16xf32, #tpu.memory_space<vmem>>) dst(%dma_wait3A_23 : memref<16xf32, #tpu.memory_space<hbm>>)
      tpu.yield
    }) : () -> ()
    return
  }
}

module attributes {stable_mosaic.version = 14 : i64} {
  func.func @_softmax_t_body(%arg0: i32, %arg1: memref<1x1024xf32, #tpu.memory_space<vmem>>, %arg2: memref<16x16xf32, #tpu.memory_space<vmem>>, %arg3: memref<1000x1xf32, #tpu.memory_space<vmem>>, %arg4: memref<1000x1xf32, #tpu.memory_space<vmem>>, %arg5: memref<1000x1024xf32, #tpu.memory_space<vmem>>) attributes {dimension_semantics = [#tpu.dimension_semantics<arbitrary>], iteration_bounds = array<i64: 2>, scalar_prefetch = 0 : i64, scratch_operands = 0 : i64, tpu.core_type = #tpu.core_type<tc>, window_params = [{transform_indices = @transform_0, window_bounds = array<i64: 1, 1024>}, {pipeline_mode = #tpu.pipeline_mode<synchronous>, transform_indices = @transform_1, window_bounds = array<i64: 16, 16>}, {pipeline_mode = #tpu.pipeline_mode<synchronous>, transform_indices = @transform_2, window_bounds = array<i64: 1000, 1>}, {pipeline_mode = #tpu.pipeline_mode<synchronous>, transform_indices = @transform_3, window_bounds = array<i64: 1000, 1>}, {transform_indices = @transform_4, window_bounds = array<i64: 1000, 1024>}]} {
    %get3A = arith.constant 0 : index
    %get3A_0 = arith.constant 0 : index
    %get3A_1 = vector.load %arg2[%get3A, %get3A_0] : memref<16x16xf32, #tpu.memory_space<vmem>>, vector<16x16xf32>
    %slice3A = vector.extract_strided_slice %get3A_1 {offsets = [0, 0], sizes = [16, 1], strides = [1, 1]} : vector<16x16xf32> to vector<16x1xf32>
    %iota3A = tpu.iota {dimensions = array<i32: 1>} : vector<16x1024xi32>
    %mul3A = arith.constant 1024 : i32
    %mul3A_2 = arith.muli %arg0, %mul3A : i32
    %add3A = vector.broadcast %mul3A_2 : i32 to vector<16x1024xi32>
    %add3A_3 = arith.addi %iota3A, %add3A : vector<16x1024xi32>
    %iota3A_4 = tpu.iota {dimensions = array<i32: 0>} : vector<16x1024xi32>
    %add3A_5 = arith.constant 1 : i32
    %add3A_6 = vector.broadcast %add3A_5 : i32 to vector<16x1024xi32>
    %add3A_7 = arith.addi %iota3A_4, %add3A_6 : vector<16x1024xi32>
    %mul3A_8 = arith.constant 128 : i32
    %mul3A_9 = vector.broadcast %mul3A_8 : i32 to vector<16x1024xi32>
    %mul3A_10 = arith.muli %add3A_7, %mul3A_9 : vector<16x1024xi32>
    %ge3A = arith.cmpi sge, %add3A_3, %mul3A_10 : vector<16x1024xi32>
    %convert_element_type3A = arith.extui %ge3A : vector<16x1024xi1> to vector<16x1024xi32>
    %convert_element_type3A_11 = arith.sitofp %convert_element_type3A : vector<16x1024xi32> to vector<16x1024xf32>
    %mul3A_12 = vector.broadcast %slice3A : vector<16x1xf32> to vector<16x1024xf32>
    %mul3A_13 = arith.mulf %mul3A_12, %convert_element_type3A_11 : vector<16x1024xf32>
    %reduce_sum3A = arith.constant dense<0.000000e+00> : vector<1024xf32>
    %reduce_sum3A_14 = vector.multi_reduction <add>, %mul3A_13, %reduce_sum3A [0] : vector<16x1024xf32> to vector<1024xf32>
    %broadcast_in_dim3A = vector.shape_cast %reduce_sum3A_14 : vector<1024xf32> to vector<1x1024xf32>
    %get3A_15 = arith.constant 0 : index
    %get3A_16 = arith.constant 0 : index
    %get3A_17 = vector.load %arg1[%get3A_15, %get3A_16] : memref<1x1024xf32, #tpu.memory_space<vmem>>, vector<1x1024xf32>
    %add3A_18 = arith.addf %get3A_17, %broadcast_in_dim3A : vector<1x1024xf32>
    %get3A_19 = arith.constant 0 : index
    %get3A_20 = arith.constant 0 : index
    %get3A_21 = vector.load %arg3[%get3A_19, %get3A_20] : memref<1000x1xf32, #tpu.memory_space<vmem>>, vector<1000x1xf32>
    %get3A_22 = arith.constant 0 : index
    %get3A_23 = arith.constant 0 : index
    %get3A_24 = vector.load %arg4[%get3A_22, %get3A_23] : memref<1000x1xf32, #tpu.memory_space<vmem>>, vector<1000x1xf32>
    %reduce_max3A = vector.shape_cast %get3A_21 : vector<1000x1xf32> to vector<1x1000x1xf32>
    %reduce_max3A_25 = arith.constant dense<0xFF800000> : vector<1xf32>
    %reduce_max3A_26 = vector.multi_reduction <maximumf>, %reduce_max3A, %reduce_max3A_25 [1, 2] : vector<1x1000x1xf32> to vector<1xf32>
    %reduce_max3A_27 = vector.shape_cast %reduce_max3A_26 : vector<1xf32> to vector<1x1x1xf32>
    %reduce_max3A_28 = vector.extract %reduce_max3A_27[0, 0, 0] : f32 from vector<1x1x1xf32>
    %reduce_min3A = vector.shape_cast %get3A_21 : vector<1000x1xf32> to vector<1x1000x1xf32>
    %reduce_min3A_29 = arith.constant dense<0x7F800000> : vector<1xf32>
    %reduce_min3A_30 = vector.multi_reduction <minimumf>, %reduce_min3A, %reduce_min3A_29 [1, 2] : vector<1x1000x1xf32> to vector<1xf32>
    %reduce_min3A_31 = vector.shape_cast %reduce_min3A_30 : vector<1xf32> to vector<1x1x1xf32>
    %reduce_min3A_32 = vector.extract %reduce_min3A_31[0, 0, 0] : f32 from vector<1x1x1xf32>
    %reduce_max3A_33 = vector.shape_cast %get3A_24 : vector<1000x1xf32> to vector<1x1000x1xf32>
    %reduce_max3A_34 = arith.constant dense<0xFF800000> : vector<1xf32>
    %reduce_max3A_35 = vector.multi_reduction <maximumf>, %reduce_max3A_33, %reduce_max3A_34 [1, 2] : vector<1x1000x1xf32> to vector<1xf32>
    %reduce_max3A_36 = vector.shape_cast %reduce_max3A_35 : vector<1xf32> to vector<1x1x1xf32>
    %reduce_max3A_37 = vector.extract %reduce_max3A_36[0, 0, 0] : f32 from vector<1x1x1xf32>
    %mul3A_38 = vector.broadcast %reduce_max3A_28 : f32 to vector<1x1024xf32>
    %mul3A_39 = arith.mulf %add3A_18, %mul3A_38 : vector<1x1024xf32>
    %mul3A_40 = vector.broadcast %reduce_min3A_32 : f32 to vector<1x1024xf32>
    %mul3A_41 = arith.mulf %add3A_18, %mul3A_40 : vector<1x1024xf32>
    %max3A = arith.maximumf %mul3A_39, %mul3A_41 : vector<1x1024xf32>
    %add3A_42 = vector.broadcast %reduce_max3A_37 : f32 to vector<1x1024xf32>
    %add3A_43 = arith.addf %max3A, %add3A_42 : vector<1x1024xf32>
    %mul3A_44 = vector.broadcast %get3A_21 : vector<1000x1xf32> to vector<1000x1024xf32>
    %mul3A_45 = vector.broadcast %add3A_18 : vector<1x1024xf32> to vector<1000x1024xf32>
    %mul3A_46 = arith.mulf %mul3A_44, %mul3A_45 : vector<1000x1024xf32>
    %sub3A = vector.broadcast %get3A_24 : vector<1000x1xf32> to vector<1000x1024xf32>
    %sub3A_47 = vector.broadcast %add3A_43 : vector<1x1024xf32> to vector<1000x1024xf32>
    %sub3A_48 = arith.subf %sub3A, %sub3A_47 : vector<1000x1024xf32>
    %add3A_49 = arith.addf %mul3A_46, %sub3A_48 : vector<1000x1024xf32>
    %exp3A = math.exp %add3A_49 : vector<1000x1024xf32>
    %reduce_sum3A_50 = arith.constant dense<0.000000e+00> : vector<1024xf32>
    %reduce_sum3A_51 = vector.multi_reduction <add>, %exp3A, %reduce_sum3A_50 [0] : vector<1000x1024xf32> to vector<1024xf32>
    %broadcast_in_dim3A_52 = vector.shape_cast %reduce_sum3A_51 : vector<1024xf32> to vector<1x1024xf32>
    %div3A = arith.constant 1.000000e+00 : f32
    %div3A_53 = vector.broadcast %div3A : f32 to vector<1x1024xf32>
    %div3A_54 = arith.divf %div3A_53, %broadcast_in_dim3A_52 : vector<1x1024xf32>
    %mul3A_55 = vector.broadcast %div3A_54 : vector<1x1024xf32> to vector<1000x1024xf32>
    %mul3A_56 = arith.mulf %exp3A, %mul3A_55 : vector<1000x1024xf32>
    %swap3A = arith.constant 0 : index
    %swap3A_57 = arith.constant 0 : index
    %swap3A_58 = vector.load %arg5[%swap3A, %swap3A_57] : memref<1000x1024xf32, #tpu.memory_space<vmem>>, vector<1000x1024xf32>
    tpu.vector_store %arg5[%swap3A, %swap3A_57], %mul3A_56 {strides = array<i32>} : memref<1000x1024xf32, #tpu.memory_space<vmem>>, vector<1000x1024xf32>,
    return
  }
  func.func @transform_0(%arg0: i32) -> (i32, i32) {
    %c0_i32 = arith.constant 0 : i32
    %c0_i32_0 = arith.constant 0 : i32
    return %c0_i32, %arg0 : i32, i32
  }
  func.func @transform_1(%arg0: i32) -> (i32, i32) {
    %c0_i32 = arith.constant 0 : i32
    %c0_i32_0 = arith.constant 0 : i32
    %c0_i32_1 = arith.constant 0 : i32
    return %c0_i32, %c0_i32_0 : i32, i32
  }
  func.func @transform_2(%arg0: i32) -> (i32, i32) {
    %c0_i32 = arith.constant 0 : i32
    %c0_i32_0 = arith.constant 0 : i32
    %c0_i32_1 = arith.constant 0 : i32
    return %c0_i32, %c0_i32_0 : i32, i32
  }
  func.func @transform_3(%arg0: i32) -> (i32, i32) {
    %c0_i32 = arith.constant 0 : i32
    %c0_i32_0 = arith.constant 0 : i32
    %c0_i32_1 = arith.constant 0 : i32
    return %c0_i32, %c0_i32_0 : i32, i32
  }
  func.func @transform_4(%arg0: i32) -> (i32, i32) {
    %c0_i32 = arith.constant 0 : i32
    %c0_i32_0 = arith.constant 0 : i32
    return %c0_i32, %arg0 : i32, i32
  }
}

</mosaic_0001>

<sc_bundles>
// kernel: kernel.4.cloned.1.call-start
scs
__scs_entry_jumppad:
0x0: {  	(pc) =	sbr.rel $0x88, $3  }
0x1: {  	(tag) =	ssettag $0x0;
	lr =	simm.s32 $0x1  }
0x2: {  	[smem:$0x3F9D] =	sst lr;
	_ =	strace $0xD0000000  }
0x3: {  	_ = 	snop  }
0x4: {  	_ = 	snop  }
0x5: {  	_ = 	snop  }
0x6: {  	_ = 	snop  }
0x7: {  	_ = 	snop  }
__scs_overlays_trampoline_lowered:
0x8: {  	[smem:$0x3FAC] =	sst s0  }
0x9: {  	[smem:$0x3FAD] =	sst s1  }
0xa: {  	[smem:$0x3FAE] =	sst s2  }
0xb: {  	[smem:$0x3FAF] =	sst s3  }
0xc: {  	[smem:$0x3FB0] =	sst s4  }
0xd: {  	[smem:$0x3FB1] =	sst s5  }
0xe: {  	[smem:$0x3FB2] =	sst s6  }
0xf: {  	[smem:$0x3FB3] =	sst s7  }
0x10: {  	[smem:$0x3FB4] =	sst s8  }
0x11: {  	[smem:$0x3FB5] =	sst s9;
	s0 =	simm.s32 @!p0 $0x0  }
0x12: {  	s1 =	sld [smem:$0x3F9B];
	s0 =	simm.s32 @p0 $0x1  }
0x13: {  	[smem:$0x3FB6] =	sst s0;
	s0 =	simm.s32 @!p1 $0x0  }
0x14: {  	s2 =	sld [smem:$0x3F9A];
	s0 =	simm.s32 @p1 $0x1  }
0x15: {  	[smem:$0x3FB7] =	sst s0;
	s0 =	simm.s32 @!p2 $0x0  }
0x16: {  	s3 =	sld [smem:$0x3FDB];
	s0 =	simm.s32 @p2 $0x1  }
0x17: {  	s4 =	simm.s32 $0x1BF5;
	[smem:$0x3FB9] =	sst s0  }
0x18: {  	s0 =	sld [smem:$0x3F9C];
	_ =	swait.ge [sflag:s4], $0x0  }
0x19: {  	s7 =	sld [smem:$0x3F9D]  }
0x1a: {  	s8 =	sadd.s32 $0xFFFFE003, lr  }
0x1b: {  	s9 =	sadd.s32 $0xFFFFFEF7, lr;
	s5 =	simm.s32 $0xFFFFFFFF;
	p2 =	slt.u32 s8, $0xFFFFF086  }
0x1c: {  	p1 =	slt.u32 s9, $0xF7A;
	s5 =	simm.s32 @!p2 $0x0  }
0x1d: {  	s5 =	simm.s32 @p1 $0x1;
	p0 =	seq.s32 s7, s2  }
0x1e: {  	s7 =	smul.u32 @!p0 $0xF7A, s2;
	p2 =	seq.s32 @!p0 s5, $0x0  }
0x1f: {  	s9 =	smul.u32 $0xF7A, s1;
	s8 =	simm.s32 @!p0 $0x1BF5;
	p2 =	por !p2, p0  }
0x20: {  	[sflag:s8] =	ssyncset.s32 @!p0 $0xFFFFF086;
	s6 =	sadd.s32 @!p0 s3, s7;
	s7 =	simm.s32 @!p0 $0x108  }
0x21: {  	s3 =	sadd.s32 s3, s9;
	s6 =	sadd.s32 @!p0 $0x88, s6;
	s7 =	simm.s32 @p2 $0x1082  }
0x22: {  	[simem:s7], [sflag:s8] =	dma.local @!p0 [hbm:s6], $0xF7A  }
0x23: {  	s9 =	sor.u32 $0xD0000000, s2;
	s6 =	simm.s32 $0x108;
	_ =	swait.ge @!p0 [sflag:s8], $0x0  }
0x24: {  	s3 =	sadd.s32 $0x88, s3;
	s6 =	simm.s32 @!p1 $0x1082;
	[sflag:s4] =	ssyncset.s32 $0xFFFFF086  }
0x25: {  	[simem:s6], [sflag:s4] =	dma.local [hbm:s3], $0xF7A  }
0x26: {  	[smem:$0x3F9D] =	sst s1;
	(tag) =	ssettag s2;
	_ =	strace s9  }
0x27: {  	s1 =	sld [smem:$0x3FAD]  }
0x28: {  	s2 =	sld [smem:$0x3FAE]  }
0x29: {  	s4 =	sld [smem:$0x3FB0]  }
0x2a: {  	p0 =	seq.s32 s5, $0x0;
	s5 =	sld [smem:$0x3FB1]  }
0x2b: {  	s6 =	sld [smem:$0x3FB2]  }
0x2c: {  	s7 =	sld [smem:$0x3FB3]  }
0x2d: {  	s3 =	simm.s32 $0x108;
	s8 =	sld [smem:$0x3FB4]  }
0x2e: {  	s3 =	simm.s32 @!p0 $0x1082;
	s9 =	sld [smem:$0x3FB5]  }
0x2f: {  	lr =	sadd.s32 s0, s3;
	s0 =	sld [smem:$0x3FAC]  }
0x30: {  	s3 =	sld [smem:$0x3FAF]  }
0x31: {  	[smem:$0x3FB8] =	sst s10  }
0x32: {  	s10 =	sld [smem:$0x3FB6];
	_ =	sdelay $0x3  }
0x33: {  	p0 =	seq.s32 s10, $0x1;
	s10 =	sld [smem:$0x3FB8];
	_ =	sdelay $0x3  }
0x34: {  	[smem:$0x3FB8] =	sst s10  }
0x35: {  	s10 =	sld [smem:$0x3FB7];
	_ =	sdelay $0x3  }
0x36: {  	p1 =	seq.s32 s10, $0x1;
	s10 =	sld [smem:$0x3FB8];
	_ =	sdelay $0x3  }
0x37: {  	[smem:$0x3FB8] =	sst s10  }
0x38: {  	s10 =	sld [smem:$0x3FB9]  }
0x39: {  	_ = 	snop;
	(pc) =	sbr.ind lr, $3  }
0x3a: {  	_ = 	snop  }
0x3b: {  	_ = 	snop  }
0x3c: {  	p2 =	seq.s32 s10, $0x1;
	s10 =	sld [smem:$0x3FB8]  }
0x3d: {  	_ =	shalt  }
0x3e: {  	_ =	shalt  }
0x3f: {  	_ =	shalt  }
0x40: {  	_ =	shalt  }
0x41: {  	_ =	shalt  }
0x42: {  	_ =	shalt  }
0x43: {  	_ =	shalt  }
0x44: {  	_ =	shalt  }
0x45: {  	_ =	shalt  }
0x46: {  	_ =	shalt  }
0x47: {  	_ =	shalt  }
0x48: {  	_ =	shalt  }
0x49: {  	_ =	shalt  }
0x4a: {  	_ =	shalt  }
0x4b: {  	_ =	shalt  }
0x4c: {  	_ =	shalt  }
0x4d: {  	_ =	shalt  }
0x4e: {  	_ =	shalt  }
0x4f: {  	_ =	shalt  }
0x50: {  	_ =	shalt  }
0x51: {  	_ =	shalt  }
0x52: {  	_ =	shalt  }
0x53: {  	_ =	shalt  }
0x54: {  	_ =	shalt  }
0x55: {  	_ =	shalt  }
0x56: {  	_ =	shalt  }
0x57: {  	_ =	shalt  }
0x58: {  	_ =	shalt  }
0x59: {  	_ =	shalt  }
0x5a: {  	_ =	shalt  }
0x5b: {  	_ =	shalt  }
0x5c: {  	_ =	shalt  }
0x5d: {  	_ =	shalt  }
0x5e: {  	_ =	shalt  }
0x5f: {  	_ =	shalt  }
0x60: {  	_ =	shalt  }
0x61: {  	_ =	shalt  }
0x62: {  	_ =	shalt  }
0x63: {  	_ =	shalt  }
0x64: {  	_ =	shalt  }
0x65: {  	_ =	shalt  }
0x66: {  	_ =	shalt  }
0x67: {  	_ =	shalt  }
0x68: {  	_ =	shalt  }
0x69: {  	_ =	shalt  }
0x6a: {  	_ =	shalt  }
0x6b: {  	_ =	shalt  }
0x6c: {  	_ =	shalt  }
0x6d: {  	_ =	shalt  }
0x6e: {  	_ =	shalt  }
0x6f: {  	_ =	shalt  }
0x70: {  	_ =	shalt  }
0x71: {  	_ =	shalt  }
0x72: {  	_ =	shalt  }
0x73: {  	_ =	shalt  }
0x74: {  	_ =	shalt  }
0x75: {  	_ =	shalt  }
0x76: {  	_ =	shalt  }
0x77: {  	_ =	shalt  }
0x78: {  	_ =	shalt  }
0x79: {  	_ =	shalt  }
0x7a: {  	_ =	shalt  }
0x7b: {  	_ =	shalt  }
0x7c: {  	_ =	shalt  }
0x7d: {  	_ =	shalt  }
0x7e: {  	_ =	shalt  }
0x7f: {  	_ =	shalt  }
0x80: {  	_ =	shalt  }
0x81: {  	_ =	shalt  }
0x82: {  	_ =	shalt  }
0x83: {  	_ =	shalt  }
0x84: {  	_ =	shalt  }
0x85: {  	_ =	shalt  }
0x86: {  	_ =	shalt  }
0x87: {  	_ =	shalt  }
.Lfunc_end0:
.L_simem_size_0:
called_computation_lowered:
.L_overlay_start_0:
0x88: {  	s0 =	sld [smem:$0x3FD9]  }
0x89: {  	s1 =	sld [smem:$0x3FFE];
	_ =	sdelay $0x3  }
0x8a: {  	s0 =	sadd.s32 s1, s0  }
0x8b: {  	[smem:$0x3FC4] =	sst s0  }
0x8c: {  	_ = 	snop  }
0x8d: {  	s0 =	sld [smem:$0x3FC9]  }
0x8e: {  	s16 =	sld [smem:$0x3FC8]  }
0x8f: {  	s2 =	sld [smem:$0x3FD0];
	(tm) =	ssettm $0x1  }
0x90: {  	s3 =	sld [smem:$0x3FFB];
	_ =	sdelay $0x3  }
0x91: {  	_ =	strace s3  }
0x92: {  	s3 =	sld [smem:$0x3FFC];
	_ =	sdelay $0x3  }
0x93: {  	_ =	strace s3  }
0x94: {  	s3 =	sld [smem:$0x3FFD];
	_ =	sdelay $0x3  }
0x95: {  	_ =	strace s3  }
0x96: {  	_ =	strace $0x8FFFFFFF  }
0x97: {  	s17 =	sld [smem:$0x3FDB];
	_ =	sdelay $0x1  }
0x98: {  	s4 =	simm.s32 $_scs_section_size  }
0x99: {  	s5 =	simm.s32 $_size__tile_overlayer_lowered;
	s6 =	simm.s32 $_tile_overlayer_lowered  }
0x9a: {  	s20 =	simm.s32 $0x1BFF;
	s19 =	sshll.u32 s6, $0x1;
	s3 =	sadd.s32 s4, s17  }
0x9b: {  	s7 =	simm.s32 $0x0;
	s18 =	sshll.u32 s5, $0x1;
	s5 =	sadd.s32 s19, s3  }
0x9c: {  	[timem:s7], [sflag:s20] =	dma.local [hbm:s5], s18  }
0x9d: {  	_ =	swait.ge [sflag:s20], s18  }
0x9e: {  	s4 =	ssub.s32 $0x0, s18;
	[sflag:s20] =	ssyncset.done $0x0  }
0x9f: {  	[sflag:s20] =	ssyncadd.s32 s4;
	_ =	sdelay $0x1  }
0xa0: {  	s21 =	simm.s32 $0x1B8B  }
0xa1: {  	_ =	swait.ge [sflag:s21], $0x1  }
0xa2: {  	[sflag:s21] =	ssyncset.done $0x0  }
0xa3: {  	s23 =	simm.s32 $0x1B8E;
	s22 =	sld [smem:$0x3FFE];
	[sflag:s21] =	ssyncadd.s32 $0xFFFFFFFF  }
0xa4: {  	s24 =	simm.s32 $execute0_lowered;
	[smem:$0x3FD2] =	sst s23  }
0xa5: {  	s5 =	sshll.u32 s24, $0x1;
	_ =	strace $0x80000046;
	[dreg:$0x1] =	wrdreg $0xFFFFFFFF  }
0xa6: {  	s25 =	simm.s32 $_size_execute0_lowered;
	s3 =	sadd.s32 s3, s5;
	[dreg:$0x0] =	wrdreg $0x0  }
0xa7: {  	s5 =	sshll.u32 s25, $0x1;
	[dreg:$0x2] =	wrdreg s3  }
0xa8: {  	[dreg:$0x3] =	wrdreg s5  }
0xa9: {  	[dreg:$0x4] =	wrdreg $0xC0  }
0xaa: {  	_ =	task [dreg:s7], $0x5FFFF  }
0xab: {  	[dreg:$0x1] =	wrdreg $0xFFFFFFFF  }
0xac: {  	[dreg:$0x0] =	wrdreg $0x60  }
0xad: {  	[dreg:$0x2] =	wrdreg s0  }
0xae: {  	[dreg:$0x3] =	wrdreg s16  }
0xaf: {  	[dreg:$0x4] =	wrdreg s2  }
0xb0: {  	[dreg:$0x5] =	wrdreg s22  }
0xb1: {  	[dreg:$0x6] =	wrdreg $0x9  }
0xb2: {  	_ =	task.clear_ibuf [dreg:s7], $0x7FFFF;
	_ =	strace $0x90000046  }
0xb3: {  	s26 =	simm.s32 $0x9;
	_ =	strace $0x80000048  }
0xb4: {  	_ =	swait.ge [sflag:s26], $0x1  }
0xb5: {  	[sflag:s26] =	ssyncadd.s32 $0xFFFFFFFF  }
0xb6: {  	_ =	strace $0x90000048  }
0xb7: {  	_ =	sfence  }
0xb8: {  	s28 =	sld [smem:$0x0];
	_ =	sdelay $0x1  }
0xb9: {  	s29 =	srdreg.scid  }
0xba: {  	s30 =	sshll.u32 s29, $0xD;
	s31 =	sshrl.u32 s29, $0x2  }
0xbb: {  	s1 =	sand.u32 $0x1, s29;
	s2 =	sand.u32 $0x4000, s30;
	s0 =	sadd.s32 s31, s28  }
0xbc: {  	s1 =	sor.u32 s2, s1;
	s0 =	sshll.u32 s0, $0x11  }
0xbd: {  	s0 =	sor.u32 s0, s1  }
0xbe: {  	s0 =	sadd.s32 $0x8F2B, s0  }
0xbf: {  	[sflag:s0] =	ssyncadd.remote.s32 $0x1  }
0xc0: {  	_ =	sfence.sel $0xFFFF  }
0xc1: {  	[dreg:$0x0] =	wrdreg $0xFFFFFFFF;
	(pc) =	sbr.abs _section_cstart, $3  }
0xc2: {  	[dreg:$0x1] =	wrdreg $0xFFFFFFFF  }
0xc3: {  	_ =	task.clear_ibuf [dreg:s7], $0x2FFFF;
	_ =	strace $0x9FFFFFFF  }
0xc4: {  	(tm) =	ssettm $0x7FFFFFFF  }
0xc5: {  	_ =	shalt  }
tec
execute0_lowered:
.L_overlay_start_1:
0x0: {  	(tag) =	ssettag $0x1  }
0x1: {  	s4 =	rddreg [dreg:$0x0]  }
0x2: {  	s5 =	rddreg [dreg:$0x1]  }
0x3: {  	s3 =	rddreg [dreg:$0x2]  }
0x4: {  	s8 =	rddreg [dreg:$0x3];
	s6 =	simm.s32 $0x0;
	s1 =	stileid.u32  }
0x5: {  	[smem:$0x7FF] =	sst s6;
	s2 =	sshll.u32 s1, $0x4  }
0x6: {  	s0 =	rddreg [dreg:$0x4];
	_ =	strace $0x80000047;
	s4 =	sadd.s32 s4, s2  }
0x7: {  	[tilespmem:s6], [sflag:$0x1] =	stream.linear.gather [hbm4b:s4+s6], $0x80, $0x38;
	[tilespmem:$0x580] =	vst v63  }
0x8: {  	s29 =	simm.s32 $0x1;
	s4 =	simm.s32 $0x80  }
0x9: {  	[tilespmem:s4], [sflag:$0x2] =	stream.linear.gather [hbm4b:s5+s6], $0x400, $0x38;
	[tilespmem:$0x580] =	vst v63  }
0xa: {  	_ =	swait.ge [sflag:s29], $0x80  }
0xb: {  	[sflag:s29] =	ssyncset.done $0x0  }
0xc: {  	s30 =	simm.s32 $0x2;
	[sflag:s29] =	ssyncadd.s32 $0xFFFFFF80  }
0xd: {  	_ =	swait.ge [sflag:s30], $0x400  }
0xe: {  	[sflag:s30] =	ssyncset.done $0x0  }
0xf: {  	s31 =	simm.s32 $0x0;
	[sflag:s30] =	ssyncadd.s32 $0xFFFFFC00  }
0x10: {  	v0 =	vld [tilespmem:s31+$0x0];
	_ =	sdelay $0x7  }
0x11: {  	v0 =	vld.idx.msk [tilespmem:v0+s4+$0x0], $0xffff;
	_ =	sdelay $0x4  }
0x12: {  	(xrf2) =	vadd.scan.msk.f32 $0xffff, v0;
	_ =	sdelay $0x5  }
0x13: {  	s6 =	simm.s32 $0x10  }
0x14: {  	v63 =	vld [tilespmem:s6+$0x0];
	_ =	sdelay $0x2  }
0x15: {  	v1, _, _ =	vpop (xrf2)  }
0x16: {  	s7 =	simm.f32 $0.0e+00;
	(v2sf) =	vpush v1, $0xF  }
0x17: {  	v2 =	vadd.f32 s7, v1;
	_ =	sdelay $0x1  }
0x18: {  	[tilespmem:s31+$0x480] =	vst v2  }
0x19: {  	v0 =	vld.idx.msk [tilespmem:v63+s4+$0x0], $0xffff;
	_ =	sdelay $0x4  }
0x1a: {  	(xrf2) =	vadd.scan.msk.f32 $0xffff, v0;
	_ =	sdelay $0x4  }
0x1b: {  	s9 =	simm.s32 $0xC0;
	s5 =	sadd.s32 $0xC00, s8;
	s8 =	simm.s32 $0x20  }
.LBB2_1:
0x1c: {  	p0 =	sne.s32 s9, $0x1C0;
	v0 =	vld [tilespmem:s8+$0x0];
	s10 =	spop (v2sf)  }
0x1d: {  	s7 =	sadd.f32 s10, s7;
	_ =	sdelay $0x2  }
0x1e: {  	v1, _, _ =	vpop (xrf2)  }
0x1f: {  	v2 =	vadd.f32 s7, v1;
	(v2sf) =	vpush v1, $0xF;
	_ =	sdelay $0x1  }
0x20: {  	[tilespmem:s6+$0x480] =	vst v2;
	s6 =	smov.u32 s8  }
0x21: {  	v0 =	vld.idx.msk [tilespmem:v0+s4+$0x0], $0xffff;
	_ =	sdelay $0x5  }
0x22: {  	(xrf2) =	vadd.scan.msk.f32 $0xffff, v0  }
.Ltmp0:
0x23: {  	(pc) =	sbr.rel @p0 .LBB2_1-.Ltmp0, $2  }
0x24: {  	_ =	sdelay $0x2  }
0x25: {  	s8 =	sshra.s32 s9, $0x2;
	s9 =	sadd.s32 $0x40, s9  }
0x26: {  	v0 =	vld [tilespmem:s8+$0x0];
	_ =	sdelay $0x1  }
0x27: {  	s9 =	spop (v2sf)  }
0x28: {  	s7 =	sadd.f32 s9, s7  }
0x29: {  	v1, _, _ =	vpop (xrf2)  }
0x2a: {  	v2 =	vadd.f32 s7, v1;
	_ =	sdelay $0x1  }
0x2b: {  	[tilespmem:s6+$0x480] =	vst v2  }
0x2c: {  	v0 =	vld.idx.msk [tilespmem:v0+s4+$0x0], $0xffff;
	_ =	sdelay $0x4  }
0x2d: {  	(xrf2) =	vadd.scan.msk.f32 $0xffff, v0;
	_ =	sdelay $0x8  }
0x2e: {  	(v2sf) =	vpush v1, $0xF  }
0x2f: {  	v0, _, _ =	vpop (xrf2)  }
0x30: {  	(v2sf) =	vpush v0, $0xF;
	_ =	sdelay $0xc  }
0x31: {  	s24 =	spop (v2sf)  }
0x32: {  	s4 =	sadd.f32 s24, s7  }
0x33: {  	s25 =	spop (v2sf)  }
0x34: {  	v0 =	vadd.f32 s4, v0;
	s4 =	sadd.f32 s25, s4;
	_ =	sdelay $0x1  }
0x35: {  	s3 =	sadd.s32 s3, s2;
	[tilespmem:s8+$0x480] =	vst v0;
	v63 =	vmov s4  }
0x36: {  	s26 =	simm.s32 $0x0;
	s28 =	simm.s32 $0x480;
	s29 =	simm.s32 $0x3;
	[tilespmem:$0x500] =	vst v63  }
0x37: {  	[hbm4b:s3+s26] =	stream.linear.scatter [tilespmem:s28], [sflag:$0x3], $0x80, $0x38;
	[tilespmem:$0x580] =	vst v63  }
0x38: {  	_ =	swait.ge [sflag:s29], $0x80  }
0x39: {  	[sflag:s29] =	ssyncset.done $0x0  }
0x3a: {  	s30 =	sadd.s32 s5, s2;
	s31 =	simm.s32 $0x500;
	[sflag:s29] =	ssyncadd.s32 $0xFFFFFF80  }
0x3b: {  	[hbm4b:s30+s26] =	stream.linear.scatter [tilespmem:s31], [sflag:$0x3], $0x80, $0x38;
	[tilespmem:$0x580] =	vst v63  }
0x3c: {  	_ =	swait.ge [sflag:s29], $0x80  }
0x3d: {  	[sflag:s29] =	ssyncset.done $0x0  }
0x3e: {  	[sflag:s29] =	ssyncadd.s32 $0xFFFFFF80  }
0x3f: {  	_ =	sfence.sel $0x180000  }
0x40: {  	[bflag:$0x0] =	sbarrier.arrive $0xFFFF  }
0x41: {  	p0 =	sne.s32 s1, $0x0;
	_ =	strace $0x90000047  }
0x42: {  	s0 =	sadd.s32 @!p0 $0x100000, s0;
	[bflag:$0x2] =	sbarrier.arrive $0xFFFF  }
0x43: {  	[sflag:s0] =	ssyncadd.tile.s32 @!p0 $0x1;
	_ =	shalt  }
.Lfunc_end2:
_tile_overlayer_lowered:
.L_overlay_start_2:
0x44: {  	(tag) =	ssettag $0x2  }
0x45: {  	s0 =	rddreg [dreg:$0x0];
	s2 =	stileid.u32  }
0x46: {  	s1 =	rddreg [dreg:$0x1];
	p0 =	sne.s32 s2, $0x0  }
0x47: {  	s3 =	rddreg [dreg:$0x2];
	[bflag:$0x3] =	sbarrier.arrive $0xFFFF;
	s2 =	simm.s32 @!p0 $0x1C03  }
0x48: {  	[timem:s3], [sflag:s2] =	dma.local @!p0 [hbm:s0], s1  }
0x49: {  	s0 =	simm.s32 @!p0 $0x3  }
0x4a: {  	_ =	swait.ge @!p0 [sflag:s0], s1  }
0x4b: {  	s1 =	ssub.s32 @!p0 $0x0, s1;
	[sflag:s0] =	ssyncset.done @!p0 $0x0  }
0x4c: {  	[sflag:s0] =	ssyncadd.s32 @!p0 s1  }
0x4d: {  	[bflag:$0x3] =	sbarrier.arrive $0xFFFF  }
0x4e: {  	_ =	shalt  }

</sc_bundles>
